<compile_context>
chip_gen: v7x
topology: tpu7x:2x2x1
jax: 0.10.2.dev20260603
libtpu: 0.0.44.dev20260713+nightly
codegen_flags: <defaults>
</compile_context>

<pallas_src>
import functools

import jax
import jax.numpy as jnp
from jax import lax
from jax.experimental import pallas as pl
from jax.experimental.pallas import tpu as pltpu
from jax.experimental.pallas import tpu_sc as plsc

S = 16
B = 32
H = 32
D = 256
G = 4 * H

VB = 7168


def _sc_gather(emb, x):
    info = plsc.get_sparse_core_info()
    num_cores = 1
    nw = num_cores * info.num_subcores
    n = S * B
    b_per_w = n // nw
    mesh = plsc.VectorSubcoreMesh(core_axis_name="c", subcore_axis_name="s",
                                  num_cores=num_cores)

    @functools.partial(
        pl.kernel,
        mesh=mesh,
        out_type=jax.ShapeDtypeStruct((n, D), jnp.float32),
        scratch_types=[
            pltpu.VMEM((b_per_w,), jnp.int32),
            pltpu.VMEM((b_per_w, D), jnp.float32),
            pltpu.SemaphoreType.DMA,
        ],
    )
    def gather_kernel(table_hbm, idx_hbm, out_hbm, idx_v, rows_v, sem):
        wid = lax.axis_index("s") * num_cores + lax.axis_index("c")
        pltpu.sync_copy(idx_hbm.at[wid], idx_v)
        pltpu.async_copy(table_hbm.at[idx_v], rows_v, sem).wait()
        pltpu.sync_copy(rows_v, out_hbm.at[pl.ds(wid * b_per_w, b_per_w)])

    return gather_kernel(emb, x)


def _lstm_fc_kernel(we_ref, wih_ref, whh_ref, bih_ref, bhh_ref,
                    wfc_ref, bfc_ref, logits_ref, hf_ref, cf_ref,
                    xw_scr, outs_scr):
    step_i = pl.program_id(0)

    @pl.when(step_i == 0)
    def _lstm():
        xw_scr[...] = lax.dot_general(
            we_ref[...], wih_ref[...], (((1,), (1,)), ((), ())),
            preferred_element_type=jnp.float32) + (bih_ref[...] + bhh_ref[...])

        def body(t, carry):
            h, c = carry
            gates = xw_scr[pl.ds(t * B, B), :] + lax.dot_general(
                h, whh_ref[...], (((1,), (1,)), ((), ())),
                preferred_element_type=jnp.float32)
            ig = jax.nn.sigmoid(gates[:, 0:H])
            fg = jax.nn.sigmoid(gates[:, H:2 * H])
            gg = jnp.tanh(gates[:, 2 * H:3 * H])
            og = jax.nn.sigmoid(gates[:, 3 * H:4 * H])
            c2 = fg * c + ig * gg
            h2 = og * jnp.tanh(c2)
            outs_scr[pl.ds(t * B, B), :] = h2
            return (h2, c2)

        zero = jnp.zeros((B, H), jnp.float32)
        hf, cf = lax.fori_loop(0, S, body, (zero, zero))
        hf_ref[0, :, :] = hf
        cf_ref[0, :, :] = cf

    logits_ref[...] = lax.dot_general(
        outs_scr[...], wfc_ref[...], (((1,), (0,)), ((), ())),
        preferred_element_type=jnp.float32) + bfc_ref[...]


def kernel(x, h0, c0, emb, W_ih, W_hh, b_ih, b_hh, W_fc, b_fc):
    V = W_fc.shape[0]
    we = _sc_gather(emb, x)

    wfcT = W_fc.T
    nv = pl.cdiv(V, VB)

    logits, hf, cf = pl.pallas_call(
        _lstm_fc_kernel,
        grid=(nv,),
        in_specs=[
            pl.BlockSpec((S * B, D), lambda i: (0, 0)),
            pl.BlockSpec((G, D), lambda i: (0, 0)),
            pl.BlockSpec((G, H), lambda i: (0, 0)),
            pl.BlockSpec((G,), lambda i: (0,)),
            pl.BlockSpec((G,), lambda i: (0,)),
            pl.BlockSpec((H, VB), lambda i: (0, i)),
            pl.BlockSpec((VB,), lambda i: (i,)),
        ],
        out_specs=[
            pl.BlockSpec((S * B, VB), lambda i: (0, i)),
            pl.BlockSpec((1, B, H), lambda i: (0, 0, 0)),
            pl.BlockSpec((1, B, H), lambda i: (0, 0, 0)),
        ],
        out_shape=[
            jax.ShapeDtypeStruct((S * B, V), jnp.float32),
            jax.ShapeDtypeStruct((1, B, H), jnp.float32),
            jax.ShapeDtypeStruct((1, B, H), jnp.float32),
        ],
        scratch_shapes=[
            pltpu.VMEM((S * B, G), jnp.float32),
            pltpu.VMEM((S * B, H), jnp.float32),
        ],
        compiler_params=pltpu.CompilerParams(
            dimension_semantics=("arbitrary",),
        ),
    )(we, W_ih, W_hh, b_ih, b_hh, wfcT, b_fc)

    return logits.reshape(S, B, V), hf, cf

# --- scband reference (transcript-rebuilt; emitter-appended) ---
"""Pipeline reference for scband-language-model-nn-2396591751219 (READ-ONLY COPY).

The authoritative reference and input builder live on the scoring server;
editing this copy changes nothing except your own understanding.
"""

import jax, jax.numpy as jnp
import numpy as np

V = 100000
D = 256
H = 32
S = 16
B = 32

def setup_inputs(seed: int = 0) -> dict:
    key = jax.random.key(seed)
    ks = jax.random.split(key, 10)
    x = jax.random.randint(ks[0], (S, B), 0, V, dtype=jnp.int32)
    h0 = jnp.zeros((1, B, H), dtype=jnp.float32)
    c0 = jnp.zeros((1, B, H), dtype=jnp.float32)
    emb = jax.random.normal(ks[1], (V, D), dtype=jnp.float32)
    k = 1.0 / np.sqrt(H)
    W_ih = jax.random.uniform(ks[2], (4 * H, D), minval=-k, maxval=k, dtype=jnp.float32)
    W_hh = jax.random.uniform(ks[3], (4 * H, H), minval=-k, maxval=k, dtype=jnp.float32)
    b_ih = jax.random.uniform(ks[4], (4 * H,), minval=-k, maxval=k, dtype=jnp.float32)
    b_hh = jax.random.uniform(ks[5], (4 * H,), minval=-k, maxval=k, dtype=jnp.float32)
    kf = 1.0 / np.sqrt(H)
    W_fc = jax.random.uniform(ks[6], (V, H), minval=-kf, maxval=kf, dtype=jnp.float32)
    b_fc = jax.random.uniform(ks[7], (V,), minval=-kf, maxval=kf, dtype=jnp.float32)
    return {"x": x, "h0": h0, "c0": c0, "emb": emb, "W_ih": W_ih, "W_hh": W_hh, "b_ih": b_ih, "b_hh": b_hh, "W_fc": W_fc, "b_fc": b_fc}

def reference(x, h0, c0, emb, W_ih, W_hh, b_ih, b_hh, W_fc, b_fc):
    # embedding lookup (SparseCore gather)
    we = jnp.take(emb, x, axis=0)  # [S, B, D]
    h = h0[0]
    c = c0[0]
    def step(carry, xt):
        h, c = carry
        gates = xt @ W_ih.T + b_ih + h @ W_hh.T + b_hh
        i, f, g, o = jnp.split(gates, 4, axis=-1)
        i = jax.nn.sigmoid(i)
        f = jax.nn.sigmoid(f)
        g = jnp.tanh(g)
        o = jax.nn.sigmoid(o)
        c2 = f * c + i * g
        h2 = o * jnp.tanh(c2)
        return (h2, c2), h2
    (hf, cf), outs = jax.lax.scan(step, (h, c), we)  # outs: [S, B, H]
    logits = outs @ W_fc.T + b_fc  # [S, B, V]
    return logits, hf[None, :, :], cf[None, :, :]

if __name__ == "__main__":
    import jax
    _d = setup_inputs()
    print(jax.jit(kernel)(*tuple(_d.values())))

</pallas_src>

<mosaic_0001>
#map = affine_map<(d0, d1) -> (0, 0)>
module attributes {stable_mosaic.version = 14 : i64} {
  func.func @gather_kernel(%arg0: i32, %arg1: i32, %arg2: memref<100000x256xf32, #tpu.memory_space<hbm>>, %arg3: memref<16x32xi32, #tpu.memory_space<hbm>>, %arg4: memref<512x256xf32, #tpu.memory_space<hbm>>, %arg5: memref<32xi32, #tpu.memory_space<vmem>>, %arg6: memref<32x256xf32, #tpu.memory_space<vmem>>, %arg7: memref<!tpu.dma_semaphore, #tpu.memory_space<semaphore_mem>>) attributes {dimension_semantics = [#tpu.dimension_semantics<core_parallel>, #tpu.dimension_semantics<subcore_parallel>], iteration_bounds = array<i64: 1, 16>, scalar_prefetch = 0 : i64, scratch_operands = 3 : i64, tpu.core_type = #tpu.core_type<sc_vector_subcore>, window_params = [{transform_indices = #map}, {transform_indices = #map}, {transform_indices = #map}]} {
    %mul3A = arith.constant 1 : i32
    %mul3A_0 = arith.muli %arg1, %mul3A : i32
    %add3A = arith.addi %mul3A_0, %arg0 : i32
    "tpu.region"() ({
      %run_scoped3A = tpu.sem_alloc : memref<!tpu.dma_semaphore, #tpu.memory_space<semaphore_mem>>
      %dma_start3A_7 = arith.constant 0 : i32
      %dma_start3A_8 = tpu.memref_slice %arg3[%add3A, %dma_start3A_7] : memref<16x32xi32, #tpu.memory_space<hbm>> -> memref<1x32xi32, #tpu.memory_space<hbm>>
      %dma_start3A_9 = tpu.memref_squeeze %dma_start3A_8 : memref<1x32xi32, #tpu.memory_space<hbm>> -> memref<32xi32, #tpu.memory_space<hbm>>
      %dma_start3A_10 = arith.constant 0 : i32
      %dma_start3A_11 = tpu.memref_slice %arg3[%add3A, %dma_start3A_10] : memref<16x32xi32, #tpu.memory_space<hbm>> -> memref<1x32xi32, #tpu.memory_space<hbm>>
      %dma_start3A_12 = tpu.memref_squeeze %dma_start3A_11 : memref<1x32xi32, #tpu.memory_space<hbm>> -> memref<32xi32, #tpu.memory_space<hbm>>
      tpu.enqueue_dma source(%dma_start3A_12 : memref<32xi32, #tpu.memory_space<hbm>>) target(%arg5 : memref<32xi32, #tpu.memory_space<vmem>>) target_semaphore(%run_scoped3A : memref<!tpu.dma_semaphore, #tpu.memory_space<semaphore_mem>>)
      %dma_wait3A_13 = arith.constant 0 : i32
      %dma_wait3A_14 = tpu.memref_slice %arg3[%add3A, %dma_wait3A_13] : memref<16x32xi32, #tpu.memory_space<hbm>> -> memref<1x32xi32, #tpu.memory_space<hbm>>
      %dma_wait3A_15 = tpu.memref_squeeze %dma_wait3A_14 : memref<1x32xi32, #tpu.memory_space<hbm>> -> memref<32xi32, #tpu.memory_space<hbm>>
      %dma_wait3A_16 = arith.constant 0 : i32
      %dma_wait3A_17 = tpu.memref_slice %arg3[%add3A, %dma_wait3A_16] : memref<16x32xi32, #tpu.memory_space<hbm>> -> memref<1x32xi32, #tpu.memory_space<hbm>>
      %dma_wait3A_18 = tpu.memref_squeeze %dma_wait3A_17 : memref<1x32xi32, #tpu.memory_space<hbm>> -> memref<32xi32, #tpu.memory_space<hbm>>
      tpu.wait_dma2 semaphore(%run_scoped3A : memref<!tpu.dma_semaphore, #tpu.memory_space<semaphore_mem>>) src(%dma_wait3A_18 : memref<32xi32, #tpu.memory_space<hbm>>) dst(%arg5 : memref<32xi32, #tpu.memory_space<vmem>>)
      tpu.yield
    }) : () -> ()
    %dma_start3A = arith.constant 0 : i32
    %dma_start3A_1 = arith.constant 0 : i32
    %dma_start3A_2 = tpu.memref_slice %arg2[%dma_start3A, %dma_start3A_1] : memref<100000x256xf32, #tpu.memory_space<hbm>> -> memref<100000x256xf32, #tpu.memory_space<hbm>>
    tpu.enqueue_indirect_dma source(%dma_start3A_2 : memref<100000x256xf32, #tpu.memory_space<hbm>>) target(%arg6 : memref<32x256xf32, #tpu.memory_space<vmem>>) offsets(%arg5 : memref<32xi32, #tpu.memory_space<vmem>>) semaphore(%arg7 : memref<!tpu.dma_semaphore, #tpu.memory_space<semaphore_mem>>)
    %dma_wait3A = arith.constant 0 : i32
    %dma_wait3A_3 = arith.constant 0 : i32
    %dma_wait3A_4 = tpu.memref_slice %arg2[%dma_wait3A, %dma_wait3A_3] : memref<100000x256xf32, #tpu.memory_space<hbm>> -> memref<100000x256xf32, #tpu.memory_space<hbm>>
    tpu.wait_indirect_dma semaphore(%arg7 : memref<!tpu.dma_semaphore, #tpu.memory_space<semaphore_mem>>) src(%dma_wait3A_4 : memref<100000x256xf32, #tpu.memory_space<hbm>>) dst(%arg6 : memref<32x256xf32, #tpu.memory_space<vmem>>)
    %mul3A_5 = arith.constant 32 : i32
    %mul3A_6 = arith.muli %add3A, %mul3A_5 : i32
    "tpu.region"() ({
      %run_scoped3A = tpu.sem_alloc : memref<!tpu.dma_semaphore, #tpu.memory_space<semaphore_mem>>
      %dma_start3A_7 = arith.constant 0 : i32
      %dma_start3A_8 = tpu.memref_slice %arg4[%mul3A_6, %dma_start3A_7] : memref<512x256xf32, #tpu.memory_space<hbm>> -> memref<32x256xf32, #tpu.memory_space<hbm>>
      %dma_start3A_9 = arith.constant 0 : i32
      %dma_start3A_10 = tpu.memref_slice %arg4[%mul3A_6, %dma_start3A_9] : memref<512x256xf32, #tpu.memory_space<hbm>> -> memref<32x256xf32, #tpu.memory_space<hbm>>
      tpu.enqueue_dma source(%arg6 : memref<32x256xf32, #tpu.memory_space<vmem>>) target(%dma_start3A_10 : memref<32x256xf32, #tpu.memory_space<hbm>>) target_semaphore(%run_scoped3A : memref<!tpu.dma_semaphore, #tpu.memory_space<semaphore_mem>>)
      %dma_wait3A_11 = arith.constant 0 : i32
      %dma_wait3A_12 = tpu.memref_slice %arg4[%mul3A_6, %dma_wait3A_11] : memref<512x256xf32, #tpu.memory_space<hbm>> -> memref<32x256xf32, #tpu.memory_space<hbm>>
      %dma_wait3A_13 = arith.constant 0 : i32
      %dma_wait3A_14 = tpu.memref_slice %arg4[%mul3A_6, %dma_wait3A_13] : memref<512x256xf32, #tpu.memory_space<hbm>> -> memref<32x256xf32, #tpu.memory_space<hbm>>
      tpu.wait_dma2 semaphore(%run_scoped3A : memref<!tpu.dma_semaphore, #tpu.memory_space<semaphore_mem>>) src(%arg6 : memref<32x256xf32, #tpu.memory_space<vmem>>) dst(%dma_wait3A_14 : memref<32x256xf32, #tpu.memory_space<hbm>>)
      tpu.yield
    }) : () -> ()
    return
  }
}

module attributes {stable_mosaic.version = 14 : i64} {
  func.func @_lstm_fc_kernel(%arg0: i32, %arg1: memref<512x256xf32, #tpu.memory_space<vmem>>, %arg2: memref<128x256xf32, #tpu.memory_space<vmem>>, %arg3: memref<128x32xf32, #tpu.memory_space<vmem>>, %arg4: memref<128xf32, #tpu.memory_space<vmem>>, %arg5: memref<128xf32, #tpu.memory_space<vmem>>, %arg6: memref<32x7168xf32, #tpu.memory_space<vmem>>, %arg7: memref<7168xf32, #tpu.memory_space<vmem>>, %arg8: memref<512x7168xf32, #tpu.memory_space<vmem>>, %arg9: memref<1x32x32xf32, #tpu.memory_space<vmem>>, %arg10: memref<1x32x32xf32, #tpu.memory_space<vmem>>, %arg11: memref<512x128xf32, #tpu.memory_space<vmem>>, %arg12: memref<512x32xf32, #tpu.memory_space<vmem>>) attributes {dimension_semantics = [#tpu.dimension_semantics<arbitrary>], iteration_bounds = array<i64: 14>, scalar_prefetch = 0 : i64, scratch_operands = 2 : i64, tpu.core_type = #tpu.core_type<tc>, window_params = [{pipeline_mode = #tpu.pipeline_mode<synchronous>, transform_indices = @transform_0, window_bounds = array<i64: 512, 256>}, {pipeline_mode = #tpu.pipeline_mode<synchronous>, transform_indices = @transform_1, window_bounds = array<i64: 128, 256>}, {pipeline_mode = #tpu.pipeline_mode<synchronous>, transform_indices = @transform_2, window_bounds = array<i64: 128, 32>}, {pipeline_mode = #tpu.pipeline_mode<synchronous>, transform_indices = @transform_3, window_bounds = array<i64: 128>}, {pipeline_mode = #tpu.pipeline_mode<synchronous>, transform_indices = @transform_4, window_bounds = array<i64: 128>}, {transform_indices = @transform_5, window_bounds = array<i64: 32, 7168>}, {transform_indices = @transform_6, window_bounds = array<i64: 7168>}, {transform_indices = @transform_7, window_bounds = array<i64: 512, 7168>}, {pipeline_mode = #tpu.pipeline_mode<synchronous>, transform_indices = @transform_8, window_bounds = array<i64: 1, 32, 32>}, {pipeline_mode = #tpu.pipeline_mode<synchronous>, transform_indices = @transform_9, window_bounds = array<i64: 1, 32, 32>}]} {
    %eq3A = arith.constant 0 : i32
    %eq3A_0 = arith.cmpi eq, %arg0, %eq3A : i32
    %convert_element_type3A = arith.extui %eq3A_0 : i1 to i32
    %cond3A = arith.constant 0 : i32
    %cond3A_1 = arith.cmpi ne, %convert_element_type3A, %cond3A : i32
    scf.if %cond3A_1 {
      %get3A_13 = arith.constant 0 : index
      %get3A_14 = arith.constant 0 : index
      %get3A_15 = vector.load %arg1[%get3A_13, %get3A_14] : memref<512x256xf32, #tpu.memory_space<vmem>>, vector<512x256xf32>
      %get3A_16 = arith.constant 0 : index
      %get3A_17 = arith.constant 0 : index
      %get3A_18 = vector.load %arg2[%get3A_16, %get3A_17] : memref<128x256xf32, #tpu.memory_space<vmem>>, vector<128x256xf32>
      %dot_general3A_19 = arith.constant dense<0.000000e+00> : vector<512x128xf32>
      %dot_general3A_20 = tpu.matmul %get3A_15, %get3A_18, %dot_general3A_19 {dimension_numbers = #tpu.dot_dimension_numbers<[1], [1], [0], [0], [0, 0, 1, 0], [], []>, transpose_lhs_hint = false} : vector<512x256xf32>, vector<128x256xf32>, vector<512x128xf32> -> vector<512x128xf32>
      %get3A_21 = arith.constant 0 : index
      %get3A_22 = vector.load %arg4[%get3A_21] : memref<128xf32, #tpu.memory_space<vmem>>, vector<128xf32>
      %get3A_23 = arith.constant 0 : index
      %get3A_24 = vector.load %arg5[%get3A_23] : memref<128xf32, #tpu.memory_space<vmem>>, vector<128xf32>
      %add3A_25 = arith.addf %get3A_22, %get3A_24 : vector<128xf32>
      %broadcast_in_dim3A_26 = vector.shape_cast %add3A_25 : vector<128xf32> to vector<1x128xf32>
      %add3A_27 = vector.broadcast %broadcast_in_dim3A_26 : vector<1x128xf32> to vector<512x128xf32>
      %add3A_28 = arith.addf %dot_general3A_20, %add3A_27 : vector<512x128xf32>
      %swap3A_29 = arith.constant 0 : index
      %swap3A_30 = arith.constant 0 : index
      %swap3A_31 = vector.load %arg11[%swap3A_29, %swap3A_30] : memref<512x128xf32, #tpu.memory_space<vmem>>, vector<512x128xf32>
      tpu.vector_store %arg11[%swap3A_29, %swap3A_30], %add3A_28 {strides = array<i32>} : memref<512x128xf32, #tpu.memory_space<vmem>>, vector<512x128xf32>,
      %broadcast_in_dim3A_32 = arith.constant 0.000000e+00 : f32
      %broadcast_in_dim3A_33 = vector.broadcast %broadcast_in_dim3A_32 : f32 to vector<32x32xf32>
      %scan3A = arith.constant 0 : i32
      %scan3A_34 = arith.constant 16 : i32
      %scan3A_35 = arith.addi %scan3A, %scan3A_34 : i32
      %scan3A_36 = arith.constant 1 : i32
      %scan3A_37:2 = scf.for %scan3A_51 = %scan3A to %scan3A_35 step %scan3A_36 iter_args(%scan3A_52 = %broadcast_in_dim3A_33, %scan3A_53 = %broadcast_in_dim3A_33) -> (vector<32x32xf32>, vector<32x32xf32>)  : i32 {
        %mul3A = arith.constant 32 : i32
        %mul3A_54 = arith.muli %scan3A_51, %mul3A : i32
        %get3A_55 = arith.index_cast %mul3A_54 : i32 to index
        %get3A_56 = arith.constant 0 : index
        %get3A_57 = vector.load %arg11[%get3A_55, %get3A_56] : memref<512x128xf32, #tpu.memory_space<vmem>>, vector<32x128xf32>
        %get3A_58 = arith.constant 0 : index
        %get3A_59 = arith.constant 0 : index
        %get3A_60 = vector.load %arg3[%get3A_58, %get3A_59] : memref<128x32xf32, #tpu.memory_space<vmem>>, vector<128x32xf32>
        %dot_general3A_61 = arith.constant dense<0.000000e+00> : vector<32x128xf32>
        %dot_general3A_62 = tpu.matmul %scan3A_52, %get3A_60, %dot_general3A_61 {dimension_numbers = #tpu.dot_dimension_numbers<[1], [1], [0], [0], [0, 0, 1, 0], [], []>, transpose_lhs_hint = false} : vector<32x32xf32>, vector<128x32xf32>, vector<32x128xf32> -> vector<32x128xf32>
        %add3A_63 = arith.addf %get3A_57, %dot_general3A_62 : vector<32x128xf32>
        %slice3A = vector.extract_strided_slice %add3A_63 {offsets = [0, 0], sizes = [32, 32], strides = [1, 1]} : vector<32x128xf32> to vector<32x32xf32>
        %logistic3A = arith.negf %slice3A : vector<32x32xf32>
        %logistic3A_64 = math.exp %logistic3A : vector<32x32xf32>
        %logistic3A_65 = arith.constant 1.000000e+00 : f32
        %logistic3A_66 = vector.broadcast %logistic3A_65 : f32 to vector<32x32xf32>
        %logistic3A_67 = arith.addf %logistic3A_66, %logistic3A_64 : vector<32x32xf32>
        %logistic3A_68 = arith.divf %logistic3A_66, %logistic3A_67 : vector<32x32xf32>
        %slice3A_69 = vector.extract_strided_slice %add3A_63 {offsets = [0, 32], sizes = [32, 32], strides = [1, 1]} : vector<32x128xf32> to vector<32x32xf32>
        %logistic3A_70 = arith.negf %slice3A_69 : vector<32x32xf32>
        %logistic3A_71 = math.exp %logistic3A_70 : vector<32x32xf32>
        %logistic3A_72 = arith.constant 1.000000e+00 : f32
        %logistic3A_73 = vector.broadcast %logistic3A_72 : f32 to vector<32x32xf32>
        %logistic3A_74 = arith.addf %logistic3A_73, %logistic3A_71 : vector<32x32xf32>
        %logistic3A_75 = arith.divf %logistic3A_73, %logistic3A_74 : vector<32x32xf32>
        %slice3A_76 = vector.extract_strided_slice %add3A_63 {offsets = [0, 64], sizes = [32, 32], strides = [1, 1]} : vector<32x128xf32> to vector<32x32xf32>
        %tanh3A = math.tanh %slice3A_76 : vector<32x32xf32>
        %slice3A_77 = vector.extract_strided_slice %add3A_63 {offsets = [0, 96], sizes = [32, 32], strides = [1, 1]} : vector<32x128xf32> to vector<32x32xf32>
        %logistic3A_78 = arith.negf %slice3A_77 : vector<32x32xf32>
        %logistic3A_79 = math.exp %logistic3A_78 : vector<32x32xf32>
        %logistic3A_80 = arith.constant 1.000000e+00 : f32
        %logistic3A_81 = vector.broadcast %logistic3A_80 : f32 to vector<32x32xf32>
        %logistic3A_82 = arith.addf %logistic3A_81, %logistic3A_79 : vector<32x32xf32>
        %logistic3A_83 = arith.divf %logistic3A_81, %logistic3A_82 : vector<32x32xf32>
        %mul3A_84 = arith.mulf %logistic3A_75, %scan3A_53 : vector<32x32xf32>
        %mul3A_85 = arith.mulf %logistic3A_68, %tanh3A : vector<32x32xf32>
        %add3A_86 = arith.addf %mul3A_84, %mul3A_85 : vector<32x32xf32>
        %tanh3A_87 = math.tanh %add3A_86 : vector<32x32xf32>
        %mul3A_88 = arith.mulf %logistic3A_83, %tanh3A_87 : vector<32x32xf32>
        %mul3A_89 = arith.constant 32 : i32
        %mul3A_90 = arith.muli %scan3A_51, %mul3A_89 : i32
        %swap3A_91 = arith.index_cast %mul3A_90 : i32 to index
        %swap3A_92 = arith.constant 0 : index
        %swap3A_93 = vector.load %arg12[%swap3A_91, %swap3A_92] : memref<512x32xf32, #tpu.memory_space<vmem>>, vector<32x32xf32>
        tpu.vector_store %arg12[%swap3A_91, %swap3A_92], %mul3A_88 {strides = array<i32>} : memref<512x32xf32, #tpu.memory_space<vmem>>, vector<32x32xf32>,
        scf.yield %mul3A_88, %add3A_86 : vector<32x32xf32>, vector<32x32xf32>
      }
      %scan3A_38 = arith.constant 16 : i32
      %swap3A_39 = arith.constant 0 : index
      %swap3A_40 = arith.constant 0 : index
      %swap3A_41 = arith.constant 0 : index
      %swap3A_42 = vector.load %arg9[%swap3A_39, %swap3A_40, %swap3A_41] : memref<1x32x32xf32, #tpu.memory_space<vmem>>, vector<1x32x32xf32>
      %swap3A_43 = vector.shape_cast %swap3A_42 : vector<1x32x32xf32> to vector<32x32xf32>
      %swap3A_44 = vector.shape_cast %scan3A_37#0 : vector<32x32xf32> to vector<1x32x32xf32>
      tpu.vector_store %arg9[%swap3A_39, %swap3A_40, %swap3A_41], %swap3A_44 {strides = array<i32>} : memref<1x32x32xf32, #tpu.memory_space<vmem>>, vector<1x32x32xf32>,
      %swap3A_45 = arith.constant 0 : index
      %swap3A_46 = arith.constant 0 : index
      %swap3A_47 = arith.constant 0 : index
      %swap3A_48 = vector.load %arg10[%swap3A_45, %swap3A_46, %swap3A_47] : memref<1x32x32xf32, #tpu.memory_space<vmem>>, vector<1x32x32xf32>
      %swap3A_49 = vector.shape_cast %swap3A_48 : vector<1x32x32xf32> to vector<32x32xf32>
      %swap3A_50 = vector.shape_cast %scan3A_37#1 : vector<32x32xf32> to vector<1x32x32xf32>
      tpu.vector_store %arg10[%swap3A_45, %swap3A_46, %swap3A_47], %swap3A_50 {strides = array<i32>} : memref<1x32x32xf32, #tpu.memory_space<vmem>>, vector<1x32x32xf32>,
    } else {
    }
    %get3A = arith.constant 0 : index
    %get3A_2 = arith.constant 0 : index
    %get3A_3 = vector.load %arg12[%get3A, %get3A_2] : memref<512x32xf32, #tpu.memory_space<vmem>>, vector<512x32xf32>
    %get3A_4 = arith.constant 0 : index
    %get3A_5 = arith.constant 0 : index
    %get3A_6 = vector.load %arg6[%get3A_4, %get3A_5] : memref<32x7168xf32, #tpu.memory_space<vmem>>, vector<32x7168xf32>
    %dot_general3A = arith.constant dense<0.000000e+00> : vector<512x7168xf32>
    %dot_general3A_7 = tpu.matmul %get3A_3, %get3A_6, %dot_general3A {dimension_numbers = #tpu.dot_dimension_numbers<[1], [0], [0], [1], [0, 0, 1, 1], [], []>, transpose_lhs_hint = false} : vector<512x32xf32>, vector<32x7168xf32>, vector<512x7168xf32> -> vector<512x7168xf32>
    %get3A_8 = arith.constant 0 : index
    %get3A_9 = vector.load %arg7[%get3A_8] : memref<7168xf32, #tpu.memory_space<vmem>>, vector<7168xf32>
    %broadcast_in_dim3A = vector.shape_cast %get3A_9 : vector<7168xf32> to vector<1x7168xf32>
    %add3A = vector.broadcast %broadcast_in_dim3A : vector<1x7168xf32> to vector<512x7168xf32>
    %add3A_10 = arith.addf %dot_general3A_7, %add3A : vector<512x7168xf32>
    %swap3A = arith.constant 0 : index
    %swap3A_11 = arith.constant 0 : index
    %swap3A_12 = vector.load %arg8[%swap3A, %swap3A_11] : memref<512x7168xf32, #tpu.memory_space<vmem>>, vector<512x7168xf32>
    tpu.vector_store %arg8[%swap3A, %swap3A_11], %add3A_10 {strides = array<i32>} : memref<512x7168xf32, #tpu.memory_space<vmem>>, vector<512x7168xf32>,
    return
  }
  func.func @transform_0(%arg0: i32) -> (i32, i32) {
    %c0_i32 = arith.constant 0 : i32
    %c0_i32_0 = arith.constant 0 : i32
    %c0_i32_1 = arith.constant 0 : i32
    return %c0_i32, %c0_i32_0 : i32, i32
  }
  func.func @transform_1(%arg0: i32) -> (i32, i32) {
    %c0_i32 = arith.constant 0 : i32
    %c0_i32_0 = arith.constant 0 : i32
    %c0_i32_1 = arith.constant 0 : i32
    return %c0_i32, %c0_i32_0 : i32, i32
  }
  func.func @transform_2(%arg0: i32) -> (i32, i32) {
    %c0_i32 = arith.constant 0 : i32
    %c0_i32_0 = arith.constant 0 : i32
    %c0_i32_1 = arith.constant 0 : i32
    return %c0_i32, %c0_i32_0 : i32, i32
  }
  func.func @transform_3(%arg0: i32) -> i32 {
    %c0_i32 = arith.constant 0 : i32
    %c0_i32_0 = arith.constant 0 : i32
    return %c0_i32 : i32
  }
  func.func @transform_4(%arg0: i32) -> i32 {
    %c0_i32 = arith.constant 0 : i32
    %c0_i32_0 = arith.constant 0 : i32
    return %c0_i32 : i32
  }
  func.func @transform_5(%arg0: i32) -> (i32, i32) {
    %c0_i32 = arith.constant 0 : i32
    %c0_i32_0 = arith.constant 0 : i32
    return %c0_i32, %arg0 : i32, i32
  }
  func.func @transform_6(%arg0: i32) -> i32 {
    %c0_i32 = arith.constant 0 : i32
    return %arg0 : i32
  }
  func.func @transform_7(%arg0: i32) -> (i32, i32) {
    %c0_i32 = arith.constant 0 : i32
    %c0_i32_0 = arith.constant 0 : i32
    return %c0_i32, %arg0 : i32, i32
  }
  func.func @transform_8(%arg0: i32) -> (i32, i32, i32) {
    %c0_i32 = arith.constant 0 : i32
    %c0_i32_0 = arith.constant 0 : i32
    %c0_i32_1 = arith.constant 0 : i32
    %c0_i32_2 = arith.constant 0 : i32
    return %c0_i32, %c0_i32_0, %c0_i32_1 : i32, i32, i32
  }
  func.func @transform_9(%arg0: i32) -> (i32, i32, i32) {
    %c0_i32 = arith.constant 0 : i32
    %c0_i32_0 = arith.constant 0 : i32
    %c0_i32_1 = arith.constant 0 : i32
    %c0_i32_2 = arith.constant 0 : i32
    return %c0_i32, %c0_i32_0, %c0_i32_1 : i32, i32, i32
  }
}

</mosaic_0001>

<sc_bundles>
// kernel: kernel.4.cloned.1.call-start
scs
__scs_entry_jumppad:
0x0: {  	(pc) =	sbr.rel $0x88, $3  }
0x1: {  	(tag) =	ssettag $0x0;
	lr =	simm.s32 $0x1  }
0x2: {  	[smem:$0x3F99] =	sst lr;
	_ =	strace $0xD0000000  }
0x3: {  	_ = 	snop  }
0x4: {  	_ = 	snop  }
0x5: {  	_ = 	snop  }
0x6: {  	_ = 	snop  }
0x7: {  	_ = 	snop  }
__scs_overlays_trampoline_lowered:
0x8: {  	[smem:$0x3FA8] =	sst s0  }
0x9: {  	[smem:$0x3FA9] =	sst s1  }
0xa: {  	[smem:$0x3FAA] =	sst s2  }
0xb: {  	[smem:$0x3FAB] =	sst s3  }
0xc: {  	[smem:$0x3FAC] =	sst s4  }
0xd: {  	[smem:$0x3FAD] =	sst s5  }
0xe: {  	[smem:$0x3FAE] =	sst s6  }
0xf: {  	[smem:$0x3FAF] =	sst s7  }
0x10: {  	[smem:$0x3FB0] =	sst s8  }
0x11: {  	[smem:$0x3FB1] =	sst s9;
	s0 =	simm.s32 @!p0 $0x0  }
0x12: {  	s1 =	sld [smem:$0x3F97];
	s0 =	simm.s32 @p0 $0x1  }
0x13: {  	[smem:$0x3FB2] =	sst s0;
	s0 =	simm.s32 @!p1 $0x0  }
0x14: {  	s2 =	sld [smem:$0x3F96];
	s0 =	simm.s32 @p1 $0x1  }
0x15: {  	[smem:$0x3FB3] =	sst s0;
	s0 =	simm.s32 @!p2 $0x0  }
0x16: {  	s3 =	sld [smem:$0x3FDB];
	s0 =	simm.s32 @p2 $0x1  }
0x17: {  	s4 =	simm.s32 $0x1BF5;
	[smem:$0x3FB5] =	sst s0  }
0x18: {  	s0 =	sld [smem:$0x3F98];
	_ =	swait.ge [sflag:s4], $0x0  }
0x19: {  	s7 =	sld [smem:$0x3F99]  }
0x1a: {  	s8 =	sadd.s32 $0xFFFFE003, lr  }
0x1b: {  	s9 =	sadd.s32 $0xFFFFFEF7, lr;
	s5 =	simm.s32 $0xFFFFFFFF;
	p2 =	slt.u32 s8, $0xFFFFF086  }
0x1c: {  	p1 =	slt.u32 s9, $0xF7A;
	s5 =	simm.s32 @!p2 $0x0  }
0x1d: {  	s5 =	simm.s32 @p1 $0x1;
	p0 =	seq.s32 s7, s2  }
0x1e: {  	s7 =	smul.u32 @!p0 $0xF7A, s2;
	p2 =	seq.s32 @!p0 s5, $0x0  }
0x1f: {  	s9 =	smul.u32 $0xF7A, s1;
	s8 =	simm.s32 @!p0 $0x1BF5;
	p2 =	por !p2, p0  }
0x20: {  	[sflag:s8] =	ssyncset.s32 @!p0 $0xFFFFF086;
	s6 =	sadd.s32 @!p0 s3, s7;
	s7 =	simm.s32 @!p0 $0x108  }
0x21: {  	s3 =	sadd.s32 s3, s9;
	s6 =	sadd.s32 @!p0 $0x88, s6;
	s7 =	simm.s32 @p2 $0x1082  }
0x22: {  	[simem:s7], [sflag:s8] =	dma.local @!p0 [hbm:s6], $0xF7A  }
0x23: {  	s9 =	sor.u32 $0xD0000000, s2;
	s6 =	simm.s32 $0x108;
	_ =	swait.ge @!p0 [sflag:s8], $0x0  }
0x24: {  	s3 =	sadd.s32 $0x88, s3;
	s6 =	simm.s32 @!p1 $0x1082;
	[sflag:s4] =	ssyncset.s32 $0xFFFFF086  }
0x25: {  	[simem:s6], [sflag:s4] =	dma.local [hbm:s3], $0xF7A  }
0x26: {  	[smem:$0x3F99] =	sst s1;
	(tag) =	ssettag s2;
	_ =	strace s9  }
0x27: {  	s1 =	sld [smem:$0x3FA9]  }
0x28: {  	s2 =	sld [smem:$0x3FAA]  }
0x29: {  	s4 =	sld [smem:$0x3FAC]  }
0x2a: {  	p0 =	seq.s32 s5, $0x0;
	s5 =	sld [smem:$0x3FAD]  }
0x2b: {  	s6 =	sld [smem:$0x3FAE]  }
0x2c: {  	s7 =	sld [smem:$0x3FAF]  }
0x2d: {  	s3 =	simm.s32 $0x108;
	s8 =	sld [smem:$0x3FB0]  }
0x2e: {  	s3 =	simm.s32 @!p0 $0x1082;
	s9 =	sld [smem:$0x3FB1]  }
0x2f: {  	lr =	sadd.s32 s0, s3;
	s0 =	sld [smem:$0x3FA8]  }
0x30: {  	s3 =	sld [smem:$0x3FAB]  }
0x31: {  	[smem:$0x3FB4] =	sst s10  }
0x32: {  	s10 =	sld [smem:$0x3FB2];
	_ =	sdelay $0x3  }
0x33: {  	p0 =	seq.s32 s10, $0x1;
	s10 =	sld [smem:$0x3FB4];
	_ =	sdelay $0x3  }
0x34: {  	[smem:$0x3FB4] =	sst s10  }
0x35: {  	s10 =	sld [smem:$0x3FB3];
	_ =	sdelay $0x3  }
0x36: {  	p1 =	seq.s32 s10, $0x1;
	s10 =	sld [smem:$0x3FB4];
	_ =	sdelay $0x3  }
0x37: {  	[smem:$0x3FB4] =	sst s10  }
0x38: {  	s10 =	sld [smem:$0x3FB5]  }
0x39: {  	_ = 	snop;
	(pc) =	sbr.ind lr, $3  }
0x3a: {  	_ = 	snop  }
0x3b: {  	_ = 	snop  }
0x3c: {  	p2 =	seq.s32 s10, $0x1;
	s10 =	sld [smem:$0x3FB4]  }
0x3d: {  	_ =	shalt  }
0x3e: {  	_ =	shalt  }
0x3f: {  	_ =	shalt  }
0x40: {  	_ =	shalt  }
0x41: {  	_ =	shalt  }
0x42: {  	_ =	shalt  }
0x43: {  	_ =	shalt  }
0x44: {  	_ =	shalt  }
0x45: {  	_ =	shalt  }
0x46: {  	_ =	shalt  }
0x47: {  	_ =	shalt  }
0x48: {  	_ =	shalt  }
0x49: {  	_ =	shalt  }
0x4a: {  	_ =	shalt  }
0x4b: {  	_ =	shalt  }
0x4c: {  	_ =	shalt  }
0x4d: {  	_ =	shalt  }
0x4e: {  	_ =	shalt  }
0x4f: {  	_ =	shalt  }
0x50: {  	_ =	shalt  }
0x51: {  	_ =	shalt  }
0x52: {  	_ =	shalt  }
0x53: {  	_ =	shalt  }
0x54: {  	_ =	shalt  }
0x55: {  	_ =	shalt  }
0x56: {  	_ =	shalt  }
0x57: {  	_ =	shalt  }
0x58: {  	_ =	shalt  }
0x59: {  	_ =	shalt  }
0x5a: {  	_ =	shalt  }
0x5b: {  	_ =	shalt  }
0x5c: {  	_ =	shalt  }
0x5d: {  	_ =	shalt  }
0x5e: {  	_ =	shalt  }
0x5f: {  	_ =	shalt  }
0x60: {  	_ =	shalt  }
0x61: {  	_ =	shalt  }
0x62: {  	_ =	shalt  }
0x63: {  	_ =	shalt  }
0x64: {  	_ =	shalt  }
0x65: {  	_ =	shalt  }
0x66: {  	_ =	shalt  }
0x67: {  	_ =	shalt  }
0x68: {  	_ =	shalt  }
0x69: {  	_ =	shalt  }
0x6a: {  	_ =	shalt  }
0x6b: {  	_ =	shalt  }
0x6c: {  	_ =	shalt  }
0x6d: {  	_ =	shalt  }
0x6e: {  	_ =	shalt  }
0x6f: {  	_ =	shalt  }
0x70: {  	_ =	shalt  }
0x71: {  	_ =	shalt  }
0x72: {  	_ =	shalt  }
0x73: {  	_ =	shalt  }
0x74: {  	_ =	shalt  }
0x75: {  	_ =	shalt  }
0x76: {  	_ =	shalt  }
0x77: {  	_ =	shalt  }
0x78: {  	_ =	shalt  }
0x79: {  	_ =	shalt  }
0x7a: {  	_ =	shalt  }
0x7b: {  	_ =	shalt  }
0x7c: {  	_ =	shalt  }
0x7d: {  	_ =	shalt  }
0x7e: {  	_ =	shalt  }
0x7f: {  	_ =	shalt  }
0x80: {  	_ =	shalt  }
0x81: {  	_ =	shalt  }
0x82: {  	_ =	shalt  }
0x83: {  	_ =	shalt  }
0x84: {  	_ =	shalt  }
0x85: {  	_ =	shalt  }
0x86: {  	_ =	shalt  }
0x87: {  	_ =	shalt  }
.Lfunc_end0:
.L_simem_size_0:
called_computation_lowered:
.L_overlay_start_0:
0x88: {  	s0 =	sld [smem:$0x3FD9]  }
0x89: {  	s1 =	sld [smem:$0x3FFE];
	_ =	sdelay $0x3  }
0x8a: {  	s0 =	sadd.s32 s1, s0  }
0x8b: {  	[smem:$0x3FC0] =	sst s0  }
0x8c: {  	_ = 	snop  }
0x8d: {  	s0 =	sld [smem:$0x3FD0];
	_ =	sdelay $0x1  }
0x8e: {  	s14 =	sld [smem:$0x3FC9]  }
0x8f: {  	s3 =	simm.s32 $0xA;
	s4 =	simm.s32 $0x10;
	s2 =	sld [smem:$0x3FC8]  }
0x90: {  	[smem:s4], [sflag:s3] =	dma.local [hbm:s0], $0x1  }
0x91: {  	_ =	swait.eq [sflag:s3], $0x1  }
0x92: {  	[sflag:s3] =	ssyncset.done $0x0  }
0x93: {  	[sflag:s3] =	ssyncadd.s32 $0xFFFFFFFF  }
0x94: {  	s15 =	sld [smem:$0x10];
	(tm) =	ssettm $0x1  }
0x95: {  	s16 =	sld [smem:$0x3FFB];
	_ =	sdelay $0x3  }
0x96: {  	_ =	strace s16  }
0x97: {  	s3 =	sld [smem:$0x3FFC];
	_ =	sdelay $0x3  }
0x98: {  	_ =	strace s3  }
0x99: {  	s3 =	sld [smem:$0x3FFD];
	_ =	sdelay $0x3  }
0x9a: {  	_ =	strace s3  }
0x9b: {  	_ =	strace $0x8FFFFFFF  }
0x9c: {  	s17 =	sld [smem:$0x3FDB];
	_ =	sdelay $0x1  }
0x9d: {  	s18 =	simm.s32 $_scs_section_size  }
0x9e: {  	s5 =	simm.s32 $_size__tile_overlayer_lowered;
	s6 =	simm.s32 $_tile_overlayer_lowered  }
0x9f: {  	s21 =	simm.s32 $0x1BFF;
	s20 =	sshll.u32 s6, $0x1;
	s3 =	sadd.s32 s18, s17  }
0xa0: {  	s7 =	simm.s32 $0x0;
	s19 =	sshll.u32 s5, $0x1;
	s5 =	sadd.s32 s20, s3  }
0xa1: {  	[timem:s7], [sflag:s21] =	dma.local [hbm:s5], s19  }
0xa2: {  	_ =	swait.ge [sflag:s21], s19  }
0xa3: {  	s4 =	ssub.s32 $0x0, s19;
	[sflag:s21] =	ssyncset.done $0x0  }
0xa4: {  	[sflag:s21] =	ssyncadd.s32 s4;
	_ =	sdelay $0x1  }
0xa5: {  	s22 =	simm.s32 $0x1B8B  }
0xa6: {  	_ =	swait.ge [sflag:s22], $0x1  }
0xa7: {  	[sflag:s22] =	ssyncset.done $0x0  }
0xa8: {  	s23 =	simm.s32 $0x1B8E;
	[sflag:s22] =	ssyncadd.s32 $0xFFFFFFFF  }
0xa9: {  	s24 =	simm.s32 $execute0_lowered;
	[smem:$0x3FD2] =	sst s23  }
0xaa: {  	s4 =	sshll.u32 s24, $0x1;
	_ =	strace $0x80000046;
	[dreg:$0x1] =	wrdreg $0xFFFFFFFF  }
0xab: {  	s25 =	simm.s32 $_size_execute0_lowered;
	s3 =	sadd.s32 s3, s4;
	[dreg:$0x0] =	wrdreg $0x0  }
0xac: {  	s4 =	sshll.u32 s25, $0x1;
	[dreg:$0x2] =	wrdreg s3  }
0xad: {  	[dreg:$0x3] =	wrdreg s4  }
0xae: {  	[dreg:$0x4] =	wrdreg $0xC0  }
0xaf: {  	_ =	task [dreg:s7], $0x5FFFF  }
0xb0: {  	[dreg:$0x1] =	wrdreg $0xFFFFFFFF  }
0xb1: {  	[dreg:$0x0] =	wrdreg $0x60  }
0xb2: {  	[dreg:$0x2] =	wrdreg s2  }
0xb3: {  	[dreg:$0x3] =	wrdreg s14  }
0xb4: {  	[dreg:$0x4] =	wrdreg s15  }
0xb5: {  	[dreg:$0x5] =	wrdreg $0x9  }
0xb6: {  	_ =	task.clear_ibuf [dreg:s7], $0x6FFFF;
	_ =	strace $0x90000046  }
0xb7: {  	s26 =	simm.s32 $0x9;
	_ =	strace $0x80000048  }
0xb8: {  	_ =	swait.ge [sflag:s26], $0x1  }
0xb9: {  	[sflag:s26] =	ssyncadd.s32 $0xFFFFFFFF  }
0xba: {  	_ =	strace $0x90000048  }
0xbb: {  	_ =	sfence  }
0xbc: {  	s28 =	sld [smem:$0x0];
	_ =	sdelay $0x1  }
0xbd: {  	s29 =	srdreg.scid  }
0xbe: {  	s30 =	sshll.u32 s29, $0xD;
	s31 =	sshrl.u32 s29, $0x2  }
0xbf: {  	s1 =	sand.u32 $0x1, s29;
	s2 =	sand.u32 $0x4000, s30;
	s0 =	sadd.s32 s31, s28  }
0xc0: {  	s1 =	sor.u32 s2, s1;
	s0 =	sshll.u32 s0, $0x11  }
0xc1: {  	s0 =	sor.u32 s0, s1  }
0xc2: {  	s0 =	sadd.s32 $0x8F2B, s0  }
0xc3: {  	[sflag:s0] =	ssyncadd.remote.s32 $0x1  }
0xc4: {  	_ =	sfence.sel $0xFFFF  }
0xc5: {  	[dreg:$0x0] =	wrdreg $0xFFFFFFFF;
	(pc) =	sbr.abs _section_cstart, $3  }
0xc6: {  	[dreg:$0x1] =	wrdreg $0xFFFFFFFF  }
0xc7: {  	_ =	task.clear_ibuf [dreg:s7], $0x2FFFF;
	_ =	strace $0x9FFFFFFF  }
0xc8: {  	(tm) =	ssettm $0x7FFFFFFF  }
0xc9: {  	_ =	shalt  }
tec
execute0_lowered:
.L_overlay_start_1:
0x0: {  	(tag) =	ssettag $0x1  }
0x1: {  	s0 =	rddreg [dreg:$0x0]  }
0x2: {  	s1 =	rddreg [dreg:$0x1]  }
0x3: {  	s2 =	rddreg [dreg:$0x2]  }
0x4: {  	s3 =	rddreg [dreg:$0x3];
	s4 =	simm.s32 $0x0;
	s5 =	stileid.u32  }
0x5: {  	[smem:$0x7FF] =	sst s4;
	s6 =	sshll.u32 s5, $0x4  }
0x6: {  	s25 =	simm.s32 $0x2;
	_ =	strace $0x80000047;
	s1 =	sadd.s32 s1, s6  }
0x7: {  	[tilespmem:s4], [sflag:$0x2] =	stream.linear.gather [hbm4b:s1+s4], $0x80, $0x38;
	[tilespmem:$0x2080] =	vst v63  }
0x8: {  	_ =	swait.ge [sflag:s25], $0x80  }
0x9: {  	[sflag:s25] =	ssyncset.done $0x0  }
0xa: {  	[sflag:s25] =	ssyncadd.s32 $0xFFFFFF80  }
0xb: {  	v0 =	vld [tilespmem:$0x0];
	_ =	sdelay $0x4  }
0xc: {  	v1 =	vshll.u32 v0, $0x1  }
0xd: {  	v2 =	vlaneseq.u32;
	v0 =	vand.u32 $0x7, v0;
	v1 =	vand.u32 $0xFFFFFFF0, v1  }
0xe: {  	v62 =	vand.u32 $0x7, v2;
	v3 =	vshrl.u32 v2, $0x3;
	v0 =	vor.u32 v0, v1  }
0xf: {  	v3 =	vmul.u32 $0x8, v3;
	v4 =	vperm.xlane v0, v62  }
0x10: {  	v2 =	vor.u32 $0x8, v2  }
0x11: {  	v0 =	vperm.xlane v0, v2;
	v4 =	vadd.s32 v3, v4;
	_ =	sdelay $0x1  }
0x12: {  	v0 =	vadd.s32 v3, v0;
	_ =	sdelay $0x1  }
0x13: {  	vm0 =	vmmov $0xffff;
	s26 =	simm.s32 $0x80  }
0x14: {  	[tilespmem:s26], [sflag:$0x1] =	stream.indirect_vreg.gather [hbm4b:s0+s4], $0x80, v4, vm0, $0xb8;
	[tilespmem:$0x2080] =	vst v63  }
0x15: {  	s7 =	simm.s32 $0x880  }
0x16: {  	[tilespmem:s7], [sflag:$0x1] =	stream.indirect_vreg.gather [hbm4b:s0+s4], $0x80, v0, vm0, $0xb8;
	[tilespmem:$0x2080] =	vst v63  }
0x17: {  	v0 =	vld [tilespmem:$0x10];
	_ =	sdelay $0x4  }
0x18: {  	v63 =	vshll.u32 v0, $0x1  }
0x19: {  	v0 =	vand.u32 $0x7, v0;
	v4 =	vand.u32 $0xFFFFFFF0, v63  }
0x1a: {  	v0 =	vor.u32 v0, v4  }
0x1b: {  	v1 =	vperm.xlane v0, v62;
	_ =	sdelay $0x1  }
0x1c: {  	v0 =	vperm.xlane v0, v2;
	v1 =	vadd.s32 v3, v1;
	_ =	sdelay $0x1  }
0x1d: {  	v0 =	vadd.s32 v3, v0;
	_ =	sdelay $0x1  }
0x1e: {  	s28 =	simm.s32 $0x1080  }
0x1f: {  	[tilespmem:s28], [sflag:$0x1] =	stream.indirect_vreg.gather [hbm4b:s0+s4], $0x80, v1, vm0, $0xb8;
	[tilespmem:$0x2080] =	vst v63  }
0x20: {  	s29 =	simm.s32 $0x1880;
	s30 =	simm.s32 $0x1  }
0x21: {  	[tilespmem:s29], [sflag:$0x1] =	stream.indirect_vreg.gather [hbm4b:s0+s4], $0x80, v0, vm0, $0xb8;
	[tilespmem:$0x2080] =	vst v63  }
0x22: {  	_ =	swait.ge [sflag:s30], $0x2000  }
0x23: {  	s31 =	sshll.u32 s5, $0xA;
	[sflag:s30] =	ssyncset.done $0x0  }
0x24: {  	s2 =	sadd.s32 s2, s31;
	[sflag:s30] =	ssyncadd.s32 $0xFFFFE000  }
0x25: {  	[hbm4b:s2+s4] =	stream.linear.scatter [tilespmem:s26], [sflag:$0x2], $0x2000, $0x38;
	[tilespmem:$0x2080] =	vst v63  }
0x26: {  	_ =	swait.ge [sflag:s25], $0x2000  }
0x27: {  	[sflag:s25] =	ssyncset.done $0x0  }
0x28: {  	[sflag:s25] =	ssyncadd.s32 $0xFFFFE000  }
0x29: {  	_ =	sfence.sel $0x180000  }
0x2a: {  	[bflag:$0x0] =	sbarrier.arrive $0xFFFF  }
0x2b: {  	p0 =	sne.s32 s5, $0x0;
	_ =	strace $0x90000047  }
0x2c: {  	s0 =	sadd.s32 @!p0 $0x100000, s3;
	[bflag:$0x2] =	sbarrier.arrive $0xFFFF  }
0x2d: {  	[sflag:s0] =	ssyncadd.tile.s32 @!p0 $0x1;
	_ =	shalt  }
.Lfunc_end2:
_tile_overlayer_lowered:
.L_overlay_start_2:
0x2e: {  	(tag) =	ssettag $0x2  }
0x2f: {  	s0 =	rddreg [dreg:$0x0];
	s2 =	stileid.u32  }
0x30: {  	s1 =	rddreg [dreg:$0x1];
	p0 =	sne.s32 s2, $0x0  }
0x31: {  	s3 =	rddreg [dreg:$0x2];
	[bflag:$0x3] =	sbarrier.arrive $0xFFFF;
	s2 =	simm.s32 @!p0 $0x1C02  }
0x32: {  	[timem:s3], [sflag:s2] =	dma.local @!p0 [hbm:s0], s1  }
0x33: {  	s0 =	simm.s32 @!p0 $0x2  }
0x34: {  	_ =	swait.ge @!p0 [sflag:s0], s1  }
0x35: {  	s1 =	ssub.s32 @!p0 $0x0, s1;
	[sflag:s0] =	ssyncset.done @!p0 $0x0  }
0x36: {  	[sflag:s0] =	ssyncadd.s32 @!p0 s1  }
0x37: {  	[bflag:$0x3] =	sbarrier.arrive $0xFFFF  }
0x38: {  	_ =	shalt  }

</sc_bundles>
